<compile_context>
chip_gen: v7x
topology: tpu7x:2x2x1
jax: 0.10.2.dev20260603
libtpu: 0.0.44.dev20260713+nightly
codegen_flags: <defaults>
</compile_context>

<pallas_src>
import functools

import jax
import jax.numpy as jnp
from jax import lax
from jax.experimental import pallas as pl
from jax.experimental.pallas import tpu as pltpu
from jax.experimental.pallas import tpu_sc as plsc

BT = 256
E = 8
D = 2048
I = 2048
TOPK = 2
NP = BT * TOPK
TN = 512
NT = I // TN
TND = 512
ND = D // TND

NTILES = 32
TPT = BT // NTILES

_MESH = plsc.VectorSubcoreMesh(core_axis_name="c", subcore_axis_name="s")


def _wid():
    return lax.axis_index("s") * 2 + lax.axis_index("c")


def _k1_body(x_ref, wu_ref, wg_ref, h_ref):
    x = x_ref[...]
    u = jax.lax.dot_general(x, wu_ref[0], (((1,), (1,)), ((), ())),
                            preferred_element_type=jnp.float32)
    g = jax.lax.dot_general(x, wg_ref[0], (((1,), (1,)), ((), ())),
                            preferred_element_type=jnp.float32)
    h_ref[0] = ((u * jax.nn.sigmoid(u)) * g).astype(jnp.bfloat16)


def _k2_body(ert_ref, rw_ref, h_ref, w2_ref, y_ref):
    e = pl.program_id(0)
    y = jax.lax.dot_general(h_ref[0].astype(jnp.float32), w2_ref[0],
                            (((1,), (1,)), ((), ())),
                            preferred_element_type=jnp.float32)
    sel = (ert_ref[...] == e).astype(jnp.float32) * rw_ref[...]
    we = jnp.sum(sel, axis=1, keepdims=True)
    y_ref[...] = y * we


def _make_combine(width):
    @functools.partial(
        pl.kernel,
        out_type=jax.ShapeDtypeStruct((BT, width), jnp.float32),
        mesh=_MESH,
        compiler_params=pltpu.CompilerParams(needs_layout_passes=False),
        scratch_types=[
            pltpu.VMEM((16,), jnp.int32),
            pltpu.VMEM((16,), jnp.int32),
            pltpu.VMEM((2 * TPT, width), jnp.float32),
            pltpu.VMEM((TPT, width), jnp.float32),
            pltpu.SemaphoreType.DMA,
        ],
    )
    def _combine(ysc_hbm, keys_hbm, out_hbm, k_v, pc_v, rows_v, o_v, sa):
        base = _wid() * TPT
        pltpu.sync_copy(keys_hbm.at[pl.ds(base * TOPK, 16)], k_v)
        iota = lax.iota(jnp.int32, 16)
        ones = jnp.ones((16,), jnp.int32)
        half = lax.shift_right_logical(iota, ones)
        tok = jnp.full((16,), base, jnp.int32) + half
        pc_v[...] = k_v[...] * jnp.full((16,), BT, jnp.int32) + tok
        pltpu.async_copy(ysc_hbm.at[pc_v], rows_v, sa).wait()

        def add_body(j, _):
            sl = pl.ds(j * 16, 16)
            for r in range(TPT):
                o_v[r, sl] = rows_v[2 * r, sl] + rows_v[2 * r + 1, sl]
            return 0

        lax.fori_loop(0, width // 16, add_body, 0)
        pltpu.sync_copy(o_v, out_hbm.at[pl.ds(base, TPT)])

    return _combine


_combine_full = _make_combine(D)


def kernel(hidden_states, expert_routing_table, router_weights, w13_weight, w2_weight):
    x = hidden_states.astype(jnp.float32)
    ert = expert_routing_table.astype(jnp.int32)
    rw = router_weights.astype(jnp.float32)

    h = pl.pallas_call(
        _k1_body,
        grid=(E, NT),
        in_specs=[
            pl.BlockSpec((BT, D), lambda e, n: (0, 0)),
            pl.BlockSpec((1, TN, D), lambda e, n: (e, n, 0)),
            pl.BlockSpec((1, TN, D), lambda e, n: (e, n + NT, 0)),
        ],
        out_specs=pl.BlockSpec((1, BT, TN), lambda e, n: (e, 0, n)),
        out_shape=jax.ShapeDtypeStruct((E, BT, I), jnp.bfloat16),
    )(x, w13_weight, w13_weight)

    ysc = pl.pallas_call(
        _k2_body,
        grid=(E, ND),
        in_specs=[
            pl.BlockSpec((BT, 2), lambda e, n: (0, 0)),
            pl.BlockSpec((BT, 2), lambda e, n: (0, 0)),
            pl.BlockSpec((1, BT, I), lambda e, n: (e, 0, 0)),
            pl.BlockSpec((1, TND, I), lambda e, n: (e, n, 0)),
        ],
        out_specs=pl.BlockSpec((BT, TND), lambda e, n: (e, n)),
        out_shape=jax.ShapeDtypeStruct((E * BT, D), jnp.float32),
    )(ert, rw, h, w2_weight)

    keys = ert.reshape(-1)
    return _combine_full(ysc, keys)

# --- scband reference (transcript-rebuilt; emitter-appended) ---
"""Pipeline reference for scband-vllm-mixture-of-experts-op-67757404062156 (READ-ONLY COPY).

The authoritative reference and input builder live on the scoring server;
editing this copy changes nothing except your own understanding.
"""

import jax, jax.numpy as jnp
import numpy as np

BT = 256
E = 8
TOP_K = 2
D_MODEL = 2048
MOE_INTER = 2048


def setup_inputs(seed: int = 0) -> dict:
    key = jax.random.key(seed)
    k1, k2, k3, k4 = jax.random.split(key, 4)
    hidden_states = jax.random.normal(k1, (BT, D_MODEL), dtype=jnp.float32)
    # router: pick top_k distinct experts per token via top_k over random logits
    logits = jax.random.normal(k2, (BT, E), dtype=jnp.float32)
    topv, topi = jax.lax.top_k(logits, TOP_K)
    router_weights = jax.nn.softmax(topv, axis=-1).astype(jnp.float32)
    expert_routing_table = topi.astype(jnp.int64)
    w13_weight = jax.random.normal(k3, (E, 2 * MOE_INTER, D_MODEL), dtype=jnp.float32) * 0.02
    w2_weight = jax.random.normal(k4, (E, D_MODEL, MOE_INTER), dtype=jnp.float32) * 0.02
    return {
        "hidden_states": hidden_states,
        "expert_routing_table": expert_routing_table,
        "router_weights": router_weights,
        "w13_weight": w13_weight,
        "w2_weight": w2_weight,
    }


def reference(hidden_states, expert_routing_table, router_weights, w13_weight, w2_weight):
    bt, hidden_dim = hidden_states.shape
    num_experts = w13_weight.shape[0]
    moe_intermediate = w2_weight.shape[2]
    # ep_shift = 0 (single EP rank)
    selected_experts = expert_routing_table.astype(jnp.int64)
    # padded_weights: scatter router weights into [bt, num_experts] along last dim
    rows = jnp.arange(bt)[:, None]
    padded_weights = jnp.zeros((bt, num_experts), dtype=hidden_states.dtype)
    padded_weights = padded_weights.at[rows, selected_experts].set(router_weights)
    padded_weights = padded_weights.T[:, :, None]  # [E, bt, 1]
    # dense up/gate projection across all experts
    up_gate_states = hidden_states @ w13_weight.reshape(-1, w13_weight.shape[-1]).T  # [bt, E*2*inter]
    up_gate_states = up_gate_states.reshape(bt, num_experts, 2, moe_intermediate)
    up_states = up_gate_states[:, :, 0, :]
    gate_states = up_gate_states[:, :, 1, :]
    current_state_static = jax.nn.silu(up_states) * gate_states  # [bt, E, inter]
    current_state_static = jnp.transpose(current_state_static, (1, 0, 2))  # [E, bt, inter]
    current_hidden = jnp.matmul(current_state_static, jnp.transpose(w2_weight, (0, 2, 1)))  # [E, bt, d]
    current_hidden = current_hidden * padded_weights
    final_hidden_states = current_hidden.sum(axis=0)  # [bt, d]
    return final_hidden_states.reshape(-1, hidden_dim)

if __name__ == "__main__":
    import jax
    _d = setup_inputs()
    print(jax.jit(kernel)(*tuple(_d.values())))

</pallas_src>

<mosaic_0001>
#map = affine_map<(d0, d1) -> (0, 0)>
#map1 = affine_map<(d0, d1) -> (0)>
module attributes {stable_mosaic.version = 14 : i64} {
  func.func @_combine(%arg0: i32, %arg1: i32, %arg2: memref<2048x2048xf32, #tpu.memory_space<hbm>>, %arg3: memref<512xi32, #tpu.memory_space<hbm>>, %arg4: memref<256x2048xf32, #tpu.memory_space<hbm>>, %arg5: memref<16xi32, #tpu.memory_space<vmem>>, %arg6: memref<16xi32, #tpu.memory_space<vmem>>, %arg7: memref<16x2048xf32, #tpu.memory_space<vmem>>, %arg8: memref<8x2048xf32, #tpu.memory_space<vmem>>, %arg9: memref<!tpu.dma_semaphore, #tpu.memory_space<semaphore_mem>>) attributes {dimension_semantics = [#tpu.dimension_semantics<core_parallel>, #tpu.dimension_semantics<subcore_parallel>], iteration_bounds = array<i64: 2, 16>, scalar_prefetch = 0 : i64, scratch_operands = 5 : i64, tpu.core_type = #tpu.core_type<sc_vector_subcore>, window_params = [{transform_indices = #map}, {transform_indices = #map1}, {transform_indices = #map}]} {
    %mul3A = arith.constant 2 : i32
    %mul3A_0 = arith.muli %arg1, %mul3A : i32
    %add3A = arith.addi %mul3A_0, %arg0 : i32
    %mul3A_1 = arith.constant 8 : i32
    %mul3A_2 = arith.muli %add3A, %mul3A_1 : i32
    %mul3A_3 = arith.constant 2 : i32
    %mul3A_4 = arith.muli %mul3A_2, %mul3A_3 : i32
    "tpu.region"() ({
      %run_scoped3A = tpu.sem_alloc : memref<!tpu.dma_semaphore, #tpu.memory_space<semaphore_mem>>
      %dma_start3A_24 = tpu.memref_slice %arg3[%mul3A_4] : memref<512xi32, #tpu.memory_space<hbm>> -> memref<16xi32, #tpu.memory_space<hbm>>
      %dma_start3A_25 = tpu.memref_slice %arg3[%mul3A_4] : memref<512xi32, #tpu.memory_space<hbm>> -> memref<16xi32, #tpu.memory_space<hbm>>
      tpu.enqueue_dma source(%dma_start3A_25 : memref<16xi32, #tpu.memory_space<hbm>>) target(%arg5 : memref<16xi32, #tpu.memory_space<vmem>>) target_semaphore(%run_scoped3A : memref<!tpu.dma_semaphore, #tpu.memory_space<semaphore_mem>>)
      %dma_wait3A_26 = tpu.memref_slice %arg3[%mul3A_4] : memref<512xi32, #tpu.memory_space<hbm>> -> memref<16xi32, #tpu.memory_space<hbm>>
      %dma_wait3A_27 = tpu.memref_slice %arg3[%mul3A_4] : memref<512xi32, #tpu.memory_space<hbm>> -> memref<16xi32, #tpu.memory_space<hbm>>
      tpu.wait_dma2 semaphore(%run_scoped3A : memref<!tpu.dma_semaphore, #tpu.memory_space<semaphore_mem>>) src(%dma_wait3A_27 : memref<16xi32, #tpu.memory_space<hbm>>) dst(%arg5 : memref<16xi32, #tpu.memory_space<vmem>>)
      tpu.yield
    }) : () -> ()
    %iota3A = tpu.iota {dimensions = array<i32: 0>} : vector<16xi32>
    %broadcast_in_dim3A = arith.constant 1 : i32
    %broadcast_in_dim3A_5 = vector.broadcast %broadcast_in_dim3A : i32 to vector<16xi32>
    %shift_right_logical3A = arith.shrui %iota3A, %broadcast_in_dim3A_5 : vector<16xi32>
    %broadcast_in_dim3A_6 = vector.broadcast %mul3A_2 : i32 to vector<16xi32>
    %add3A_7 = arith.addi %broadcast_in_dim3A_6, %shift_right_logical3A : vector<16xi32>
    %get3A = arith.constant 0 : index
    %get3A_8 = tpu.vector_load %arg5[%get3A] {strides = array<i32>} : memref<16xi32, #tpu.memory_space<vmem>>, vector<16xi32>,
    %broadcast_in_dim3A_9 = arith.constant 256 : i32
    %broadcast_in_dim3A_10 = vector.broadcast %broadcast_in_dim3A_9 : i32 to vector<16xi32>
    %mul3A_11 = arith.muli %get3A_8, %broadcast_in_dim3A_10 : vector<16xi32>
    %add3A_12 = arith.addi %mul3A_11, %add3A_7 : vector<16xi32>
    %swap3A = arith.constant 0 : index
    %swap3A_13 = tpu.vector_load %arg6[%swap3A] {strides = array<i32>} : memref<16xi32, #tpu.memory_space<vmem>>, vector<16xi32>,
    tpu.vector_store %arg6[%swap3A], %add3A_12 {strides = array<i32>} : memref<16xi32, #tpu.memory_space<vmem>>, vector<16xi32>,
    %dma_start3A = arith.constant 0 : i32
    %dma_start3A_14 = arith.constant 0 : i32
    %dma_start3A_15 = tpu.memref_slice %arg2[%dma_start3A, %dma_start3A_14] : memref<2048x2048xf32, #tpu.memory_space<hbm>> -> memref<2048x2048xf32, #tpu.memory_space<hbm>>
    tpu.enqueue_indirect_dma source(%dma_start3A_15 : memref<2048x2048xf32, #tpu.memory_space<hbm>>) target(%arg7 : memref<16x2048xf32, #tpu.memory_space<vmem>>) offsets(%arg6 : memref<16xi32, #tpu.memory_space<vmem>>) semaphore(%arg9 : memref<!tpu.dma_semaphore, #tpu.memory_space<semaphore_mem>>)
    %dma_wait3A = arith.constant 0 : i32
    %dma_wait3A_16 = arith.constant 0 : i32
    %dma_wait3A_17 = tpu.memref_slice %arg2[%dma_wait3A, %dma_wait3A_16] : memref<2048x2048xf32, #tpu.memory_space<hbm>> -> memref<2048x2048xf32, #tpu.memory_space<hbm>>
    tpu.wait_indirect_dma semaphore(%arg9 : memref<!tpu.dma_semaphore, #tpu.memory_space<semaphore_mem>>) src(%dma_wait3A_17 : memref<2048x2048xf32, #tpu.memory_space<hbm>>) dst(%arg7 : memref<16x2048xf32, #tpu.memory_space<vmem>>)
    %scan3A = arith.constant 0 : i32
    %scan3A_18 = arith.constant 0 : i32
    %scan3A_19 = arith.constant 128 : i32
    %scan3A_20 = arith.addi %scan3A_18, %scan3A_19 : i32
    %scan3A_21 = arith.constant 1 : i32
    %scan3A_22 = scf.for %scan3A_24 = %scan3A_18 to %scan3A_20 step %scan3A_21 iter_args(%scan3A_25 = %scan3A) -> (i32)  : i32 {
      %mul3A_26 = arith.constant 16 : i32
      %mul3A_27 = arith.muli %scan3A_24, %mul3A_26 : i32
      %get3A_28 = arith.constant 0 : i32
      %get3A_29 = arith.index_cast %get3A_28 : i32 to index
      %get3A_30 = arith.index_cast %mul3A_27 : i32 to index
      %get3A_31 = tpu.vector_load %arg7[%get3A_29, %get3A_30] {strides = array<i32>} : memref<16x2048xf32, #tpu.memory_space<vmem>>, vector<16xf32>,
      %get3A_32 = arith.constant 1 : i32
      %get3A_33 = arith.index_cast %get3A_32 : i32 to index
      %get3A_34 = arith.index_cast %mul3A_27 : i32 to index
      %get3A_35 = tpu.vector_load %arg7[%get3A_33, %get3A_34] {strides = array<i32>} : memref<16x2048xf32, #tpu.memory_space<vmem>>, vector<16xf32>,
      %add3A_36 = arith.addf %get3A_31, %get3A_35 : vector<16xf32>
      %swap3A_37 = arith.constant 0 : i32
      %swap3A_38 = arith.index_cast %swap3A_37 : i32 to index
      %swap3A_39 = arith.index_cast %mul3A_27 : i32 to index
      %swap3A_40 = tpu.vector_load %arg8[%swap3A_38, %swap3A_39] {strides = array<i32>} : memref<8x2048xf32, #tpu.memory_space<vmem>>, vector<16xf32>,
      tpu.vector_store %arg8[%swap3A_38, %swap3A_39], %add3A_36 {strides = array<i32>} : memref<8x2048xf32, #tpu.memory_space<vmem>>, vector<16xf32>,
      %get3A_41 = arith.constant 2 : i32
      %get3A_42 = arith.index_cast %get3A_41 : i32 to index
      %get3A_43 = arith.index_cast %mul3A_27 : i32 to index
      %get3A_44 = tpu.vector_load %arg7[%get3A_42, %get3A_43] {strides = array<i32>} : memref<16x2048xf32, #tpu.memory_space<vmem>>, vector<16xf32>,
      %get3A_45 = arith.constant 3 : i32
      %get3A_46 = arith.index_cast %get3A_45 : i32 to index
      %get3A_47 = arith.index_cast %mul3A_27 : i32 to index
      %get3A_48 = tpu.vector_load %arg7[%get3A_46, %get3A_47] {strides = array<i32>} : memref<16x2048xf32, #tpu.memory_space<vmem>>, vector<16xf32>,
      %add3A_49 = arith.addf %get3A_44, %get3A_48 : vector<16xf32>
      %swap3A_50 = arith.constant 1 : i32
      %swap3A_51 = arith.index_cast %swap3A_50 : i32 to index
      %swap3A_52 = arith.index_cast %mul3A_27 : i32 to index
      %swap3A_53 = tpu.vector_load %arg8[%swap3A_51, %swap3A_52] {strides = array<i32>} : memref<8x2048xf32, #tpu.memory_space<vmem>>, vector<16xf32>,
      tpu.vector_store %arg8[%swap3A_51, %swap3A_52], %add3A_49 {strides = array<i32>} : memref<8x2048xf32, #tpu.memory_space<vmem>>, vector<16xf32>,
      %get3A_54 = arith.constant 4 : i32
      %get3A_55 = arith.index_cast %get3A_54 : i32 to index
      %get3A_56 = arith.index_cast %mul3A_27 : i32 to index
      %get3A_57 = tpu.vector_load %arg7[%get3A_55, %get3A_56] {strides = array<i32>} : memref<16x2048xf32, #tpu.memory_space<vmem>>, vector<16xf32>,
      %get3A_58 = arith.constant 5 : i32
      %get3A_59 = arith.index_cast %get3A_58 : i32 to index
      %get3A_60 = arith.index_cast %mul3A_27 : i32 to index
      %get3A_61 = tpu.vector_load %arg7[%get3A_59, %get3A_60] {strides = array<i32>} : memref<16x2048xf32, #tpu.memory_space<vmem>>, vector<16xf32>,
      %add3A_62 = arith.addf %get3A_57, %get3A_61 : vector<16xf32>
      %swap3A_63 = arith.constant 2 : i32
      %swap3A_64 = arith.index_cast %swap3A_63 : i32 to index
      %swap3A_65 = arith.index_cast %mul3A_27 : i32 to index
      %swap3A_66 = tpu.vector_load %arg8[%swap3A_64, %swap3A_65] {strides = array<i32>} : memref<8x2048xf32, #tpu.memory_space<vmem>>, vector<16xf32>,
      tpu.vector_store %arg8[%swap3A_64, %swap3A_65], %add3A_62 {strides = array<i32>} : memref<8x2048xf32, #tpu.memory_space<vmem>>, vector<16xf32>,
      %get3A_67 = arith.constant 6 : i32
      %get3A_68 = arith.index_cast %get3A_67 : i32 to index
      %get3A_69 = arith.index_cast %mul3A_27 : i32 to index
      %get3A_70 = tpu.vector_load %arg7[%get3A_68, %get3A_69] {strides = array<i32>} : memref<16x2048xf32, #tpu.memory_space<vmem>>, vector<16xf32>,
      %get3A_71 = arith.constant 7 : i32
      %get3A_72 = arith.index_cast %get3A_71 : i32 to index
      %get3A_73 = arith.index_cast %mul3A_27 : i32 to index
      %get3A_74 = tpu.vector_load %arg7[%get3A_72, %get3A_73] {strides = array<i32>} : memref<16x2048xf32, #tpu.memory_space<vmem>>, vector<16xf32>,
      %add3A_75 = arith.addf %get3A_70, %get3A_74 : vector<16xf32>
      %swap3A_76 = arith.constant 3 : i32
      %swap3A_77 = arith.index_cast %swap3A_76 : i32 to index
      %swap3A_78 = arith.index_cast %mul3A_27 : i32 to index
      %swap3A_79 = tpu.vector_load %arg8[%swap3A_77, %swap3A_78] {strides = array<i32>} : memref<8x2048xf32, #tpu.memory_space<vmem>>, vector<16xf32>,
      tpu.vector_store %arg8[%swap3A_77, %swap3A_78], %add3A_75 {strides = array<i32>} : memref<8x2048xf32, #tpu.memory_space<vmem>>, vector<16xf32>,
      %get3A_80 = arith.constant 8 : i32
      %get3A_81 = arith.index_cast %get3A_80 : i32 to index
      %get3A_82 = arith.index_cast %mul3A_27 : i32 to index
      %get3A_83 = tpu.vector_load %arg7[%get3A_81, %get3A_82] {strides = array<i32>} : memref<16x2048xf32, #tpu.memory_space<vmem>>, vector<16xf32>,
      %get3A_84 = arith.constant 9 : i32
      %get3A_85 = arith.index_cast %get3A_84 : i32 to index
      %get3A_86 = arith.index_cast %mul3A_27 : i32 to index
      %get3A_87 = tpu.vector_load %arg7[%get3A_85, %get3A_86] {strides = array<i32>} : memref<16x2048xf32, #tpu.memory_space<vmem>>, vector<16xf32>,
      %add3A_88 = arith.addf %get3A_83, %get3A_87 : vector<16xf32>
      %swap3A_89 = arith.constant 4 : i32
      %swap3A_90 = arith.index_cast %swap3A_89 : i32 to index
      %swap3A_91 = arith.index_cast %mul3A_27 : i32 to index
      %swap3A_92 = tpu.vector_load %arg8[%swap3A_90, %swap3A_91] {strides = array<i32>} : memref<8x2048xf32, #tpu.memory_space<vmem>>, vector<16xf32>,
      tpu.vector_store %arg8[%swap3A_90, %swap3A_91], %add3A_88 {strides = array<i32>} : memref<8x2048xf32, #tpu.memory_space<vmem>>, vector<16xf32>,
      %get3A_93 = arith.constant 10 : i32
      %get3A_94 = arith.index_cast %get3A_93 : i32 to index
      %get3A_95 = arith.index_cast %mul3A_27 : i32 to index
      %get3A_96 = tpu.vector_load %arg7[%get3A_94, %get3A_95] {strides = array<i32>} : memref<16x2048xf32, #tpu.memory_space<vmem>>, vector<16xf32>,
      %get3A_97 = arith.constant 11 : i32
      %get3A_98 = arith.index_cast %get3A_97 : i32 to index
      %get3A_99 = arith.index_cast %mul3A_27 : i32 to index
      %get3A_100 = tpu.vector_load %arg7[%get3A_98, %get3A_99] {strides = array<i32>} : memref<16x2048xf32, #tpu.memory_space<vmem>>, vector<16xf32>,
      %add3A_101 = arith.addf %get3A_96, %get3A_100 : vector<16xf32>
      %swap3A_102 = arith.constant 5 : i32
      %swap3A_103 = arith.index_cast %swap3A_102 : i32 to index
      %swap3A_104 = arith.index_cast %mul3A_27 : i32 to index
      %swap3A_105 = tpu.vector_load %arg8[%swap3A_103, %swap3A_104] {strides = array<i32>} : memref<8x2048xf32, #tpu.memory_space<vmem>>, vector<16xf32>,
      tpu.vector_store %arg8[%swap3A_103, %swap3A_104], %add3A_101 {strides = array<i32>} : memref<8x2048xf32, #tpu.memory_space<vmem>>, vector<16xf32>,
      %get3A_106 = arith.constant 12 : i32
      %get3A_107 = arith.index_cast %get3A_106 : i32 to index
      %get3A_108 = arith.index_cast %mul3A_27 : i32 to index
      %get3A_109 = tpu.vector_load %arg7[%get3A_107, %get3A_108] {strides = array<i32>} : memref<16x2048xf32, #tpu.memory_space<vmem>>, vector<16xf32>,
      %get3A_110 = arith.constant 13 : i32
      %get3A_111 = arith.index_cast %get3A_110 : i32 to index
      %get3A_112 = arith.index_cast %mul3A_27 : i32 to index
      %get3A_113 = tpu.vector_load %arg7[%get3A_111, %get3A_112] {strides = array<i32>} : memref<16x2048xf32, #tpu.memory_space<vmem>>, vector<16xf32>,
      %add3A_114 = arith.addf %get3A_109, %get3A_113 : vector<16xf32>
      %swap3A_115 = arith.constant 6 : i32
      %swap3A_116 = arith.index_cast %swap3A_115 : i32 to index
      %swap3A_117 = arith.index_cast %mul3A_27 : i32 to index
      %swap3A_118 = tpu.vector_load %arg8[%swap3A_116, %swap3A_117] {strides = array<i32>} : memref<8x2048xf32, #tpu.memory_space<vmem>>, vector<16xf32>,
      tpu.vector_store %arg8[%swap3A_116, %swap3A_117], %add3A_114 {strides = array<i32>} : memref<8x2048xf32, #tpu.memory_space<vmem>>, vector<16xf32>,
      %get3A_119 = arith.constant 14 : i32
      %get3A_120 = arith.index_cast %get3A_119 : i32 to index
      %get3A_121 = arith.index_cast %mul3A_27 : i32 to index
      %get3A_122 = tpu.vector_load %arg7[%get3A_120, %get3A_121] {strides = array<i32>} : memref<16x2048xf32, #tpu.memory_space<vmem>>, vector<16xf32>,
      %get3A_123 = arith.constant 15 : i32
      %get3A_124 = arith.index_cast %get3A_123 : i32 to index
      %get3A_125 = arith.index_cast %mul3A_27 : i32 to index
      %get3A_126 = tpu.vector_load %arg7[%get3A_124, %get3A_125] {strides = array<i32>} : memref<16x2048xf32, #tpu.memory_space<vmem>>, vector<16xf32>,
      %add3A_127 = arith.addf %get3A_122, %get3A_126 : vector<16xf32>
      %swap3A_128 = arith.constant 7 : i32
      %swap3A_129 = arith.index_cast %swap3A_128 : i32 to index
      %swap3A_130 = arith.index_cast %mul3A_27 : i32 to index
      %swap3A_131 = tpu.vector_load %arg8[%swap3A_129, %swap3A_130] {strides = array<i32>} : memref<8x2048xf32, #tpu.memory_space<vmem>>, vector<16xf32>,
      tpu.vector_store %arg8[%swap3A_129, %swap3A_130], %add3A_127 {strides = array<i32>} : memref<8x2048xf32, #tpu.memory_space<vmem>>, vector<16xf32>,
      %scan3A_132 = arith.constant 0 : i32
      scf.yield %scan3A_132 : i32
    }
    %scan3A_23 = arith.constant 128 : i32
    "tpu.region"() ({
      %run_scoped3A = tpu.sem_alloc : memref<!tpu.dma_semaphore, #tpu.memory_space<semaphore_mem>>
      %dma_start3A_24 = arith.constant 0 : i32
      %dma_start3A_25 = tpu.memref_slice %arg4[%mul3A_2, %dma_start3A_24] : memref<256x2048xf32, #tpu.memory_space<hbm>> -> memref<8x2048xf32, #tpu.memory_space<hbm>>
      %dma_start3A_26 = arith.constant 0 : i32
      %dma_start3A_27 = tpu.memref_slice %arg4[%mul3A_2, %dma_start3A_26] : memref<256x2048xf32, #tpu.memory_space<hbm>> -> memref<8x2048xf32, #tpu.memory_space<hbm>>
      tpu.enqueue_dma source(%arg8 : memref<8x2048xf32, #tpu.memory_space<vmem>>) target(%dma_start3A_27 : memref<8x2048xf32, #tpu.memory_space<hbm>>) target_semaphore(%run_scoped3A : memref<!tpu.dma_semaphore, #tpu.memory_space<semaphore_mem>>)
      %dma_wait3A_28 = arith.constant 0 : i32
      %dma_wait3A_29 = tpu.memref_slice %arg4[%mul3A_2, %dma_wait3A_28] : memref<256x2048xf32, #tpu.memory_space<hbm>> -> memref<8x2048xf32, #tpu.memory_space<hbm>>
      %dma_wait3A_30 = arith.constant 0 : i32
      %dma_wait3A_31 = tpu.memref_slice %arg4[%mul3A_2, %dma_wait3A_30] : memref<256x2048xf32, #tpu.memory_space<hbm>> -> memref<8x2048xf32, #tpu.memory_space<hbm>>
      tpu.wait_dma2 semaphore(%run_scoped3A : memref<!tpu.dma_semaphore, #tpu.memory_space<semaphore_mem>>) src(%arg8 : memref<8x2048xf32, #tpu.memory_space<vmem>>) dst(%dma_wait3A_31 : memref<8x2048xf32, #tpu.memory_space<hbm>>)
      tpu.yield
    }) : () -> ()
    return
  }
}

module attributes {stable_mosaic.version = 14 : i64} {
  func.func @_k1_body(%arg0: i32, %arg1: i32, %arg2: memref<256x2048xf32, #tpu.memory_space<vmem>>, %arg3: memref<1x512x2048xf32, #tpu.memory_space<vmem>>, %arg4: memref<1x512x2048xf32, #tpu.memory_space<vmem>>, %arg5: memref<1x256x512xbf16, #tpu.memory_space<vmem>>) attributes {dimension_semantics = [#tpu.dimension_semantics<arbitrary>, #tpu.dimension_semantics<arbitrary>], iteration_bounds = array<i64: 8, 4>, scalar_prefetch = 0 : i64, scratch_operands = 0 : i64, tpu.core_type = #tpu.core_type<tc>, window_params = [{pipeline_mode = #tpu.pipeline_mode<synchronous>, transform_indices = @transform_0, window_bounds = array<i64: 256, 2048>}, {transform_indices = @transform_1, window_bounds = array<i64: 1, 512, 2048>}, {transform_indices = @transform_2, window_bounds = array<i64: 1, 512, 2048>}, {transform_indices = @transform_3, window_bounds = array<i64: 1, 256, 512>}]} {
    %get3A = arith.constant 0 : index
    %get3A_0 = arith.constant 0 : index
    %get3A_1 = vector.load %arg2[%get3A, %get3A_0] : memref<256x2048xf32, #tpu.memory_space<vmem>>, vector<256x2048xf32>
    %get3A_2 = arith.constant 0 : index
    %get3A_3 = arith.constant 0 : index
    %get3A_4 = arith.constant 0 : index
    %get3A_5 = vector.load %arg3[%get3A_2, %get3A_3, %get3A_4] : memref<1x512x2048xf32, #tpu.memory_space<vmem>>, vector<1x512x2048xf32>
    %get3A_6 = vector.shape_cast %get3A_5 : vector<1x512x2048xf32> to vector<512x2048xf32>
    %dot_general3A = arith.constant dense<0.000000e+00> : vector<256x512xf32>
    %dot_general3A_7 = tpu.matmul %get3A_1, %get3A_6, %dot_general3A {dimension_numbers = #tpu.dot_dimension_numbers<[1], [1], [0], [0], [0, 0, 1, 0], [], []>, transpose_lhs_hint = false} : vector<256x2048xf32>, vector<512x2048xf32>, vector<256x512xf32> -> vector<256x512xf32>
    %get3A_8 = arith.constant 0 : index
    %get3A_9 = arith.constant 0 : index
    %get3A_10 = arith.constant 0 : index
    %get3A_11 = vector.load %arg4[%get3A_8, %get3A_9, %get3A_10] : memref<1x512x2048xf32, #tpu.memory_space<vmem>>, vector<1x512x2048xf32>
    %get3A_12 = vector.shape_cast %get3A_11 : vector<1x512x2048xf32> to vector<512x2048xf32>
    %dot_general3A_13 = arith.constant dense<0.000000e+00> : vector<256x512xf32>
    %dot_general3A_14 = tpu.matmul %get3A_1, %get3A_12, %dot_general3A_13 {dimension_numbers = #tpu.dot_dimension_numbers<[1], [1], [0], [0], [0, 0, 1, 0], [], []>, transpose_lhs_hint = false} : vector<256x2048xf32>, vector<512x2048xf32>, vector<256x512xf32> -> vector<256x512xf32>
    %logistic3A = arith.negf %dot_general3A_7 : vector<256x512xf32>
    %logistic3A_15 = math.exp %logistic3A : vector<256x512xf32>
    %logistic3A_16 = arith.constant 1.000000e+00 : f32
    %logistic3A_17 = vector.broadcast %logistic3A_16 : f32 to vector<256x512xf32>
    %logistic3A_18 = arith.addf %logistic3A_17, %logistic3A_15 : vector<256x512xf32>
    %logistic3A_19 = arith.divf %logistic3A_17, %logistic3A_18 : vector<256x512xf32>
    %mul3A = arith.mulf %dot_general3A_7, %logistic3A_19 : vector<256x512xf32>
    %mul3A_20 = arith.mulf %mul3A, %dot_general3A_14 : vector<256x512xf32>
    %convert_element_type3A = arith.truncf %mul3A_20 : vector<256x512xf32> to vector<256x512xbf16>
    %swap3A = arith.constant 0 : index
    %swap3A_21 = arith.constant 0 : index
    %swap3A_22 = arith.constant 0 : index
    %swap3A_23 = vector.load %arg5[%swap3A, %swap3A_21, %swap3A_22] : memref<1x256x512xbf16, #tpu.memory_space<vmem>>, vector<1x256x512xbf16>
    %swap3A_24 = vector.shape_cast %swap3A_23 : vector<1x256x512xbf16> to vector<256x512xbf16>
    %swap3A_25 = vector.shape_cast %convert_element_type3A : vector<256x512xbf16> to vector<1x256x512xbf16>
    tpu.vector_store %arg5[%swap3A, %swap3A_21, %swap3A_22], %swap3A_25 {strides = array<i32>} : memref<1x256x512xbf16, #tpu.memory_space<vmem>>, vector<1x256x512xbf16>,
    return
  }
  func.func @transform_0(%arg0: i32, %arg1: i32) -> (i32, i32) {
    %c0_i32 = arith.constant 0 : i32
    %c0_i32_0 = arith.constant 0 : i32
    %c0_i32_1 = arith.constant 0 : i32
    return %c0_i32, %c0_i32_0 : i32, i32
  }
  func.func @transform_1(%arg0: i32, %arg1: i32) -> (i32, i32, i32) {
    %c0_i32 = arith.constant 0 : i32
    %c0_i32_0 = arith.constant 0 : i32
    return %arg0, %arg1, %c0_i32 : i32, i32, i32
  }
  func.func @transform_2(%arg0: i32, %arg1: i32) -> (i32, i32, i32) {
    %add3A = arith.constant 4 : i32
    %add3A_0 = arith.addi %arg1, %add3A : i32
    %c0_i32 = arith.constant 0 : i32
    %c0_i32_1 = arith.constant 0 : i32
    return %arg0, %add3A_0, %c0_i32 : i32, i32, i32
  }
  func.func @transform_3(%arg0: i32, %arg1: i32) -> (i32, i32, i32) {
    %c0_i32 = arith.constant 0 : i32
    %c0_i32_0 = arith.constant 0 : i32
    return %arg0, %c0_i32, %arg1 : i32, i32, i32
  }
}

module attributes {stable_mosaic.version = 14 : i64} {
  func.func @_k2_body(%arg0: i32, %arg1: i32, %arg2: memref<256x2xi32, #tpu.memory_space<vmem>>, %arg3: memref<256x2xf32, #tpu.memory_space<vmem>>, %arg4: memref<1x256x2048xbf16, #tpu.memory_space<vmem>>, %arg5: memref<1x512x2048xf32, #tpu.memory_space<vmem>>, %arg6: memref<256x512xf32, #tpu.memory_space<vmem>>) attributes {dimension_semantics = [#tpu.dimension_semantics<arbitrary>, #tpu.dimension_semantics<arbitrary>], iteration_bounds = array<i64: 8, 4>, scalar_prefetch = 0 : i64, scratch_operands = 0 : i64, tpu.core_type = #tpu.core_type<tc>, window_params = [{pipeline_mode = #tpu.pipeline_mode<synchronous>, transform_indices = @transform_0, window_bounds = array<i64: 256, 2>}, {pipeline_mode = #tpu.pipeline_mode<synchronous>, transform_indices = @transform_1, window_bounds = array<i64: 256, 2>}, {transform_indices = @transform_2, window_bounds = array<i64: 1, 256, 2048>}, {transform_indices = @transform_3, window_bounds = array<i64: 1, 512, 2048>}, {transform_indices = @transform_4, window_bounds = array<i64: 256, 512>}]} {
    %get3A = arith.constant 0 : index
    %get3A_0 = arith.constant 0 : index
    %get3A_1 = arith.constant 0 : index
    %get3A_2 = vector.load %arg4[%get3A, %get3A_0, %get3A_1] : memref<1x256x2048xbf16, #tpu.memory_space<vmem>>, vector<1x256x2048xbf16>
    %get3A_3 = vector.shape_cast %get3A_2 : vector<1x256x2048xbf16> to vector<256x2048xbf16>
    %convert_element_type3A = arith.extf %get3A_3 : vector<256x2048xbf16> to vector<256x2048xf32>
    %get3A_4 = arith.constant 0 : index
    %get3A_5 = arith.constant 0 : index
    %get3A_6 = arith.constant 0 : index
    %get3A_7 = vector.load %arg5[%get3A_4, %get3A_5, %get3A_6] : memref<1x512x2048xf32, #tpu.memory_space<vmem>>, vector<1x512x2048xf32>
    %get3A_8 = vector.shape_cast %get3A_7 : vector<1x512x2048xf32> to vector<512x2048xf32>
    %dot_general3A = arith.constant dense<0.000000e+00> : vector<256x512xf32>
    %dot_general3A_9 = tpu.matmul %convert_element_type3A, %get3A_8, %dot_general3A {dimension_numbers = #tpu.dot_dimension_numbers<[1], [1], [0], [0], [0, 0, 1, 0], [], []>, transpose_lhs_hint = false} : vector<256x2048xf32>, vector<512x2048xf32>, vector<256x512xf32> -> vector<256x512xf32>
    %get3A_10 = arith.constant 0 : index
    %get3A_11 = arith.constant 0 : index
    %get3A_12 = vector.load %arg2[%get3A_10, %get3A_11] : memref<256x2xi32, #tpu.memory_space<vmem>>, vector<256x2xi32>
    %eq3A = vector.broadcast %arg0 : i32 to vector<256x2xi32>
    %eq3A_13 = arith.cmpi eq, %get3A_12, %eq3A : vector<256x2xi32>
    %convert_element_type3A_14 = arith.extui %eq3A_13 : vector<256x2xi1> to vector<256x2xi32>
    %convert_element_type3A_15 = arith.sitofp %convert_element_type3A_14 : vector<256x2xi32> to vector<256x2xf32>
    %get3A_16 = arith.constant 0 : index
    %get3A_17 = arith.constant 0 : index
    %get3A_18 = vector.load %arg3[%get3A_16, %get3A_17] : memref<256x2xf32, #tpu.memory_space<vmem>>, vector<256x2xf32>
    %mul3A = arith.mulf %convert_element_type3A_15, %get3A_18 : vector<256x2xf32>
    %reduce_sum3A = arith.constant dense<0.000000e+00> : vector<256xf32>
    %reduce_sum3A_19 = vector.multi_reduction <add>, %mul3A, %reduce_sum3A [1] : vector<256x2xf32> to vector<256xf32>
    %broadcast_in_dim3A = vector.shape_cast %reduce_sum3A_19 : vector<256xf32> to vector<256x1xf32>
    %mul3A_20 = vector.broadcast %broadcast_in_dim3A : vector<256x1xf32> to vector<256x512xf32>
    %mul3A_21 = arith.mulf %dot_general3A_9, %mul3A_20 : vector<256x512xf32>
    %swap3A = arith.constant 0 : index
    %swap3A_22 = arith.constant 0 : index
    %swap3A_23 = vector.load %arg6[%swap3A, %swap3A_22] : memref<256x512xf32, #tpu.memory_space<vmem>>, vector<256x512xf32>
    tpu.vector_store %arg6[%swap3A, %swap3A_22], %mul3A_21 {strides = array<i32>} : memref<256x512xf32, #tpu.memory_space<vmem>>, vector<256x512xf32>,
    return
  }
  func.func @transform_0(%arg0: i32, %arg1: i32) -> (i32, i32) {
    %c0_i32 = arith.constant 0 : i32
    %c0_i32_0 = arith.constant 0 : i32
    %c0_i32_1 = arith.constant 0 : i32
    return %c0_i32, %c0_i32_0 : i32, i32
  }
  func.func @transform_1(%arg0: i32, %arg1: i32) -> (i32, i32) {
    %c0_i32 = arith.constant 0 : i32
    %c0_i32_0 = arith.constant 0 : i32
    %c0_i32_1 = arith.constant 0 : i32
    return %c0_i32, %c0_i32_0 : i32, i32
  }
  func.func @transform_2(%arg0: i32, %arg1: i32) -> (i32, i32, i32) {
    %c0_i32 = arith.constant 0 : i32
    %c0_i32_0 = arith.constant 0 : i32
    %c0_i32_1 = arith.constant 0 : i32
    return %arg0, %c0_i32, %c0_i32_0 : i32, i32, i32
  }
  func.func @transform_3(%arg0: i32, %arg1: i32) -> (i32, i32, i32) {
    %c0_i32 = arith.constant 0 : i32
    %c0_i32_0 = arith.constant 0 : i32
    return %arg0, %arg1, %c0_i32 : i32, i32, i32
  }
  func.func @transform_4(%arg0: i32, %arg1: i32) -> (i32, i32) {
    %c0_i32 = arith.constant 0 : i32
    return %arg0, %arg1 : i32, i32
  }
}

</mosaic_0001>

<sc_bundles>
// kernel: kernel.5.cloned.1.call-start
scs
__scs_entry_jumppad:
0x0: {  	(pc) =	sbr.rel $0x88, $3  }
0x1: {  	(tag) =	ssettag $0x0;
	lr =	simm.s32 $0x1  }
0x2: {  	[smem:$0x3F9C] =	sst lr;
	_ =	strace $0xD0000000  }
0x3: {  	_ = 	snop  }
0x4: {  	_ = 	snop  }
0x5: {  	_ = 	snop  }
0x6: {  	_ = 	snop  }
0x7: {  	_ = 	snop  }
__scs_overlays_trampoline_lowered:
0x8: {  	[smem:$0x3FAB] =	sst s0  }
0x9: {  	[smem:$0x3FAC] =	sst s1  }
0xa: {  	[smem:$0x3FAD] =	sst s2  }
0xb: {  	[smem:$0x3FAE] =	sst s3  }
0xc: {  	[smem:$0x3FAF] =	sst s4  }
0xd: {  	[smem:$0x3FB0] =	sst s5  }
0xe: {  	[smem:$0x3FB1] =	sst s6  }
0xf: {  	[smem:$0x3FB2] =	sst s7  }
0x10: {  	[smem:$0x3FB3] =	sst s8  }
0x11: {  	[smem:$0x3FB4] =	sst s9;
	s0 =	simm.s32 @!p0 $0x0  }
0x12: {  	s1 =	sld [smem:$0x3F9A];
	s0 =	simm.s32 @p0 $0x1  }
0x13: {  	[smem:$0x3FB5] =	sst s0;
	s0 =	simm.s32 @!p1 $0x0  }
0x14: {  	s2 =	sld [smem:$0x3F99];
	s0 =	simm.s32 @p1 $0x1  }
0x15: {  	[smem:$0x3FB6] =	sst s0;
	s0 =	simm.s32 @!p2 $0x0  }
0x16: {  	s3 =	sld [smem:$0x3FDB];
	s0 =	simm.s32 @p2 $0x1  }
0x17: {  	s4 =	simm.s32 $0x1BF5;
	[smem:$0x3FB8] =	sst s0  }
0x18: {  	s0 =	sld [smem:$0x3F9B];
	_ =	swait.ge [sflag:s4], $0x0  }
0x19: {  	s7 =	sld [smem:$0x3F9C]  }
0x1a: {  	s8 =	sadd.s32 $0xFFFFE003, lr  }
0x1b: {  	s9 =	sadd.s32 $0xFFFFFEF7, lr;
	s5 =	simm.s32 $0xFFFFFFFF;
	p2 =	slt.u32 s8, $0xFFFFF086  }
0x1c: {  	p1 =	slt.u32 s9, $0xF7A;
	s5 =	simm.s32 @!p2 $0x0  }
0x1d: {  	s5 =	simm.s32 @p1 $0x1;
	p0 =	seq.s32 s7, s2  }
0x1e: {  	s7 =	smul.u32 @!p0 $0xF7A, s2;
	p2 =	seq.s32 @!p0 s5, $0x0  }
0x1f: {  	s9 =	smul.u32 $0xF7A, s1;
	s8 =	simm.s32 @!p0 $0x1BF5;
	p2 =	por !p2, p0  }
0x20: {  	[sflag:s8] =	ssyncset.s32 @!p0 $0xFFFFF086;
	s6 =	sadd.s32 @!p0 s3, s7;
	s7 =	simm.s32 @!p0 $0x108  }
0x21: {  	s3 =	sadd.s32 s3, s9;
	s6 =	sadd.s32 @!p0 $0x88, s6;
	s7 =	simm.s32 @p2 $0x1082  }
0x22: {  	[simem:s7], [sflag:s8] =	dma.local @!p0 [hbm:s6], $0xF7A  }
0x23: {  	s9 =	sor.u32 $0xD0000000, s2;
	s6 =	simm.s32 $0x108;
	_ =	swait.ge @!p0 [sflag:s8], $0x0  }
0x24: {  	s3 =	sadd.s32 $0x88, s3;
	s6 =	simm.s32 @!p1 $0x1082;
	[sflag:s4] =	ssyncset.s32 $0xFFFFF086  }
0x25: {  	[simem:s6], [sflag:s4] =	dma.local [hbm:s3], $0xF7A  }
0x26: {  	[smem:$0x3F9C] =	sst s1;
	(tag) =	ssettag s2;
	_ =	strace s9  }
0x27: {  	s1 =	sld [smem:$0x3FAC]  }
0x28: {  	s2 =	sld [smem:$0x3FAD]  }
0x29: {  	s4 =	sld [smem:$0x3FAF]  }
0x2a: {  	p0 =	seq.s32 s5, $0x0;
	s5 =	sld [smem:$0x3FB0]  }
0x2b: {  	s6 =	sld [smem:$0x3FB1]  }
0x2c: {  	s7 =	sld [smem:$0x3FB2]  }
0x2d: {  	s3 =	simm.s32 $0x108;
	s8 =	sld [smem:$0x3FB3]  }
0x2e: {  	s3 =	simm.s32 @!p0 $0x1082;
	s9 =	sld [smem:$0x3FB4]  }
0x2f: {  	lr =	sadd.s32 s0, s3;
	s0 =	sld [smem:$0x3FAB]  }
0x30: {  	s3 =	sld [smem:$0x3FAE]  }
0x31: {  	[smem:$0x3FB7] =	sst s10  }
0x32: {  	s10 =	sld [smem:$0x3FB5];
	_ =	sdelay $0x3  }
0x33: {  	p0 =	seq.s32 s10, $0x1;
	s10 =	sld [smem:$0x3FB7];
	_ =	sdelay $0x3  }
0x34: {  	[smem:$0x3FB7] =	sst s10  }
0x35: {  	s10 =	sld [smem:$0x3FB6];
	_ =	sdelay $0x3  }
0x36: {  	p1 =	seq.s32 s10, $0x1;
	s10 =	sld [smem:$0x3FB7];
	_ =	sdelay $0x3  }
0x37: {  	[smem:$0x3FB7] =	sst s10  }
0x38: {  	s10 =	sld [smem:$0x3FB8]  }
0x39: {  	_ = 	snop;
	(pc) =	sbr.ind lr, $3  }
0x3a: {  	_ = 	snop  }
0x3b: {  	_ = 	snop  }
0x3c: {  	p2 =	seq.s32 s10, $0x1;
	s10 =	sld [smem:$0x3FB7]  }
0x3d: {  	_ =	shalt  }
0x3e: {  	_ =	shalt  }
0x3f: {  	_ =	shalt  }
0x40: {  	_ =	shalt  }
0x41: {  	_ =	shalt  }
0x42: {  	_ =	shalt  }
0x43: {  	_ =	shalt  }
0x44: {  	_ =	shalt  }
0x45: {  	_ =	shalt  }
0x46: {  	_ =	shalt  }
0x47: {  	_ =	shalt  }
0x48: {  	_ =	shalt  }
0x49: {  	_ =	shalt  }
0x4a: {  	_ =	shalt  }
0x4b: {  	_ =	shalt  }
0x4c: {  	_ =	shalt  }
0x4d: {  	_ =	shalt  }
0x4e: {  	_ =	shalt  }
0x4f: {  	_ =	shalt  }
0x50: {  	_ =	shalt  }
0x51: {  	_ =	shalt  }
0x52: {  	_ =	shalt  }
0x53: {  	_ =	shalt  }
0x54: {  	_ =	shalt  }
0x55: {  	_ =	shalt  }
0x56: {  	_ =	shalt  }
0x57: {  	_ =	shalt  }
0x58: {  	_ =	shalt  }
0x59: {  	_ =	shalt  }
0x5a: {  	_ =	shalt  }
0x5b: {  	_ =	shalt  }
0x5c: {  	_ =	shalt  }
0x5d: {  	_ =	shalt  }
0x5e: {  	_ =	shalt  }
0x5f: {  	_ =	shalt  }
0x60: {  	_ =	shalt  }
0x61: {  	_ =	shalt  }
0x62: {  	_ =	shalt  }
0x63: {  	_ =	shalt  }
0x64: {  	_ =	shalt  }
0x65: {  	_ =	shalt  }
0x66: {  	_ =	shalt  }
0x67: {  	_ =	shalt  }
0x68: {  	_ =	shalt  }
0x69: {  	_ =	shalt  }
0x6a: {  	_ =	shalt  }
0x6b: {  	_ =	shalt  }
0x6c: {  	_ =	shalt  }
0x6d: {  	_ =	shalt  }
0x6e: {  	_ =	shalt  }
0x6f: {  	_ =	shalt  }
0x70: {  	_ =	shalt  }
0x71: {  	_ =	shalt  }
0x72: {  	_ =	shalt  }
0x73: {  	_ =	shalt  }
0x74: {  	_ =	shalt  }
0x75: {  	_ =	shalt  }
0x76: {  	_ =	shalt  }
0x77: {  	_ =	shalt  }
0x78: {  	_ =	shalt  }
0x79: {  	_ =	shalt  }
0x7a: {  	_ =	shalt  }
0x7b: {  	_ =	shalt  }
0x7c: {  	_ =	shalt  }
0x7d: {  	_ =	shalt  }
0x7e: {  	_ =	shalt  }
0x7f: {  	_ =	shalt  }
0x80: {  	_ =	shalt  }
0x81: {  	_ =	shalt  }
0x82: {  	_ =	shalt  }
0x83: {  	_ =	shalt  }
0x84: {  	_ =	shalt  }
0x85: {  	_ =	shalt  }
0x86: {  	_ =	shalt  }
0x87: {  	_ =	shalt  }
.Lfunc_end0:
.L_simem_size_0:
called_computation_lowered:
.L_overlay_start_0:
0x88: {  	s2 =	sld [smem:$0x3FD9]  }
0x89: {  	s3 =	sld [smem:$0x3FFE];
	_ =	sdelay $0x1  }
0x8a: {  	s1 =	srdreg.scid  }
0x8b: {  	s0 =	sand.u32 $0x1, s1  }
0x8c: {  	s17 =	sshll.u32 s0, $0xA;
	s2 =	sadd.s32 s3, s2  }
0x8d: {  	s2 =	sadd.s32 s2, s17  }
0x8e: {  	[smem:$0x3FC3] =	sst s2  }
0x8f: {  	_ = 	snop  }
0x90: {  	s2 =	sld [smem:$0x3FD0];
	(tm) =	ssettm $0x1  }
0x91: {  	s18 =	sld [smem:$0x3FFB];
	_ =	sdelay $0x3  }
0x92: {  	_ =	strace s18  }
0x93: {  	s3 =	sld [smem:$0x3FFC];
	_ =	sdelay $0x3  }
0x94: {  	_ =	strace s3  }
0x95: {  	s3 =	sld [smem:$0x3FFD];
	_ =	sdelay $0x3  }
0x96: {  	_ =	strace s3  }
0x97: {  	_ =	strace $0x8FFFFFFF  }
0x98: {  	s19 =	sld [smem:$0x3FDB];
	_ =	sdelay $0x1  }
0x99: {  	s4 =	simm.s32 $_scs_section_size  }
0x9a: {  	s5 =	simm.s32 $_size__tile_overlayer_lowered;
	s6 =	simm.s32 $_tile_overlayer_lowered  }
0x9b: {  	s22 =	simm.s32 $0x1BFF;
	s21 =	sshll.u32 s6, $0x1;
	s3 =	sadd.s32 s4, s19  }
0x9c: {  	s7 =	simm.s32 $0x0;
	s20 =	sshll.u32 s5, $0x1;
	s5 =	sadd.s32 s21, s3  }
0x9d: {  	[timem:s7], [sflag:s22] =	dma.local [hbm:s5], s20  }
0x9e: {  	_ =	swait.ge [sflag:s22], s20  }
0x9f: {  	s4 =	ssub.s32 $0x0, s20;
	[sflag:s22] =	ssyncset.done $0x0  }
0xa0: {  	[sflag:s22] =	ssyncadd.s32 s4;
	_ =	sdelay $0x1  }
0xa1: {  	s23 =	simm.s32 $0x1B8B  }
0xa2: {  	_ =	swait.ge [sflag:s23], $0x1  }
0xa3: {  	[sflag:s23] =	ssyncset.done $0x0  }
0xa4: {  	s25 =	simm.s32 $0x1B8E;
	s24 =	sld [smem:$0x3FFE];
	[sflag:s23] =	ssyncadd.s32 $0xFFFFFFFF  }
0xa5: {  	s26 =	simm.s32 $execute0_lowered;
	[smem:$0x3FD2] =	sst s25  }
0xa6: {  	s5 =	sshll.u32 s26, $0x1;
	_ =	strace $0x80000046;
	[dreg:$0x1] =	wrdreg $0xFFFFFFFF  }
0xa7: {  	s28 =	simm.s32 $_size_execute0_lowered;
	s3 =	sadd.s32 s3, s5;
	[dreg:$0x0] =	wrdreg $0x0  }
0xa8: {  	s5 =	sshll.u32 s28, $0x1;
	[dreg:$0x2] =	wrdreg s3  }
0xa9: {  	[dreg:$0x3] =	wrdreg s5  }
0xaa: {  	[dreg:$0x4] =	wrdreg $0xC0  }
0xab: {  	_ =	task [dreg:s7], $0x5FFFF  }
0xac: {  	[dreg:$0x1] =	wrdreg $0xFFFFFFFF  }
0xad: {  	[dreg:$0x0] =	wrdreg $0x60  }
0xae: {  	[dreg:$0x2] =	wrdreg s24  }
0xaf: {  	[dreg:$0x3] =	wrdreg s2  }
0xb0: {  	[dreg:$0x4] =	wrdreg $0x9  }
0xb1: {  	_ =	task.clear_ibuf [dreg:s7], $0x5FFFF;
	_ =	strace $0x90000046  }
0xb2: {  	s29 =	simm.s32 $0x9;
	_ =	strace $0x80000048  }
0xb3: {  	_ =	swait.ge [sflag:s29], $0x1  }
0xb4: {  	[sflag:s29] =	ssyncadd.s32 $0xFFFFFFFF  }
0xb5: {  	_ =	strace $0x90000048  }
0xb6: {  	_ =	sfence  }
0xb7: {  	s30 =	sld [smem:$0x0];
	_ =	sdelay $0x2  }
0xb8: {  	s31 =	sshll.u32 s1, $0xD;
	s1 =	sshrl.u32 s1, $0x2  }
0xb9: {  	s3 =	sand.u32 $0x4000, s31;
	s1 =	sadd.s32 s1, s30  }
0xba: {  	s0 =	sor.u32 s3, s0;
	s1 =	sshll.u32 s1, $0x11  }
0xbb: {  	s0 =	sor.u32 s1, s0  }
0xbc: {  	s0 =	sadd.s32 $0x8F2B, s0  }
0xbd: {  	[sflag:s0] =	ssyncadd.remote.s32 $0x1  }
0xbe: {  	_ =	sfence.sel $0xFFFF  }
0xbf: {  	[dreg:$0x0] =	wrdreg $0xFFFFFFFF;
	(pc) =	sbr.abs _section_cstart, $3  }
0xc0: {  	[dreg:$0x1] =	wrdreg $0xFFFFFFFF  }
0xc1: {  	_ =	task.clear_ibuf [dreg:s7], $0x2FFFF;
	_ =	strace $0x9FFFFFFF  }
0xc2: {  	(tm) =	ssettm $0x7FFFFFFF  }
0xc3: {  	_ =	shalt  }
tec
execute0_lowered:
.L_overlay_start_1:
0x0: {  	(tag) =	ssettag $0x1  }
0x1: {  	s0 =	rddreg [dreg:$0x0]  }
0x2: {  	s1 =	rddreg [dreg:$0x1];
	s3 =	srdreg.scid  }
0x3: {  	s4 =	stileid.u32;
	s2 =	simm.s32 $0x0;
	s14 =	simm.s32 $0x2  }
0x4: {  	s24 =	simm.s32 $0x4900;
	s25 =	simm.s32 $0x5100;
	s26 =	simm.s32 $0x5900  }
0x5: {  	s28 =	simm.s32 $0x6100;
	s29 =	simm.s32 $0x6900;
	s30 =	simm.s32 $0x7100  }
0x6: {  	s31 =	simm.s32 $0x7900;
	s3 =	sand.u32 $0x1, s3;
	s4 =	sshll.u32 s4, $0x1  }
0x7: {  	[smem:$0x7FF] =	sst s2;
	s7 =	sadd.s32 $0x2100, s0;
	s8 =	sadd.s32 $0x2200, s0  }
0x8: {  	s9 =	sadd.s32 $0x2300, s0;
	s11 =	sadd.s32 $0x2500, s0;
	s10 =	sor.u32 s3, s4  }
0x9: {  	_ =	strace $0x80000047;
	s5 =	ssub.s32 $0x2, s3;
	s3 =	sadd.s32 $0x1E00, s0  }
0xa: {  	s4 =	sshll.u32 s10, $0x1;
	s6 =	sshrl.u32 s5, $0x1;
	s15 =	sshll.u32 s10, $0x3  }
0xb: {  	s12 =	sshll.u32 s10, $0xB;
	s10 =	sadd.s32 $0x2400, s0;
	s4 =	sadd.s32 s4, s0  }
0xc: {  	v4 =	vlaneseq.u32;
	vm0 =	vmmov $0xffff;
	s13 =	ssub.s32 s5, s6;
	s5 =	sadd.s32 $0x1F00, s0;
	s6 =	sadd.s32 $0x2000, s0  }
0xd: {  	v0 =	vshrl.u32 v4, $0x1;
	v2 =	vand.u32 $0x7, v4;
	v3 =	vshrl.u32 v4, $0x3;
	s12 =	sadd.s32 s1, s12;
	s0 =	simm.s32 $0x1;
	s1 =	simm.s32 $0x8100  }
0xe: {  	v4 =	vor.u32 $0x8, v4;
	v3 =	vmul.u32 $0x8, v3;
	v1 =	vor.u32 s15, v0;
	s15 =	simm.s32 $0x0;
	s4 =	sadd.s32 $0x1C00, s4;
	s13 =	smax.u32 s13, $0x1  }
.LBB2_1:
0xf: {  	[tilespmem:s2], [sflag:$0x2] =	stream.linear.gather [hbm4b:s4+s2], $0x10, $0x38;
	[tilespmem:$0xC100] =	vst v63  }
0x10: {  	_ =	swait.ge [sflag:s14], $0x10  }
0x11: {  	[sflag:s14] =	ssyncset.done $0x0  }
0x12: {  	[sflag:s14] =	ssyncadd.s32 $0xFFFFFFF0  }
0x13: {  	v5 =	vld [tilespmem:$0x0];
	_ =	sdelay $0x4  }
0x14: {  	v5 =	vshll.u32 v5, $0x8  }
0x15: {  	v5 =	vor.u32 v1, v5  }
0x16: {  	v6 =	vshll.u32 v5, $0x4  }
0x17: {  	v6 =	vand.u32 $0xFFFFFF80, v6  }
0x18: {  	v6 =	vor.u32 v0, v6  }
0x19: {  	v7 =	vperm.xlane v6, v2;
	_ =	sdelay $0x1  }
0x1a: {  	v7 =	vadd.s32 v3, v7;
	_ =	sdelay $0x3  }
0x1b: {  	s16 =	simm.s32 $0x100;
	[tilespmem:$0x80] =	vst v5  }
0x1c: {  	[tilespmem:s16], [sflag:$0x1] =	stream.indirect_vreg.gather [hbm4b:s3+s2], $0x80, v7, vm0, $0xb8;
	[tilespmem:$0xC100] =	vst v63  }
0x1d: {  	s21 =	simm.s32 $0x900  }
0x1e: {  	[tilespmem:s21], [sflag:$0x1] =	stream.indirect_vreg.gather [hbm4b:s5+s2], $0x80, v7, vm0, $0xb8;
	[tilespmem:$0xC100] =	vst v63  }
0x1f: {  	s22 =	simm.s32 $0x1100  }
0x20: {  	[tilespmem:s22], [sflag:$0x1] =	stream.indirect_vreg.gather [hbm4b:s6+s2], $0x80, v7, vm0, $0xb8;
	[tilespmem:$0xC100] =	vst v63  }
0x21: {  	s23 =	simm.s32 $0x1900  }
0x22: {  	[tilespmem:s23], [sflag:$0x1] =	stream.indirect_vreg.gather [hbm4b:s7+s2], $0x80, v7, vm0, $0xb8;
	[tilespmem:$0xC100] =	vst v63  }
0x23: {  	s17 =	simm.s32 $0x2100  }
0x24: {  	[tilespmem:s17], [sflag:$0x1] =	stream.indirect_vreg.gather [hbm4b:s8+s2], $0x80, v7, vm0, $0xb8;
	[tilespmem:$0xC100] =	vst v63  }
0x25: {  	s18 =	simm.s32 $0x2900;
	v5 =	vperm.xlane v6, v4  }
0x26: {  	[tilespmem:s18], [sflag:$0x1] =	stream.indirect_vreg.gather [hbm4b:s9+s2], $0x80, v7, vm0, $0xb8;
	[tilespmem:$0xC100] =	vst v63  }
0x27: {  	s19 =	simm.s32 $0x3100;
	v5 =	vadd.s32 v3, v5  }
0x28: {  	[tilespmem:s19], [sflag:$0x1] =	stream.indirect_vreg.gather [hbm4b:s10+s2], $0x80, v7, vm0, $0xb8;
	[tilespmem:$0xC100] =	vst v63  }
0x29: {  	s20 =	simm.s32 $0x3900  }
0x2a: {  	[tilespmem:s20], [sflag:$0x1] =	stream.indirect_vreg.gather [hbm4b:s11+s2], $0x80, v7, vm0, $0xb8;
	[tilespmem:$0xC100] =	vst v63  }
0x2b: {  	s21 =	simm.s32 $0x4100  }
0x2c: {  	[tilespmem:s21], [sflag:$0x1] =	stream.indirect_vreg.gather [hbm4b:s3+s2], $0x80, v5, vm0, $0xb8;
	[tilespmem:$0xC100] =	vst v63  }
0x2d: {  	_ = 	snop  }
0x2e: {  	[tilespmem:s24], [sflag:$0x1] =	stream.indirect_vreg.gather [hbm4b:s5+s2], $0x80, v5, vm0, $0xb8;
	[tilespmem:$0xC100] =	vst v63  }
0x2f: {  	_ = 	snop  }
0x30: {  	[tilespmem:s25], [sflag:$0x1] =	stream.indirect_vreg.gather [hbm4b:s6+s2], $0x80, v5, vm0, $0xb8;
	[tilespmem:$0xC100] =	vst v63  }
0x31: {  	_ = 	snop  }
0x32: {  	[tilespmem:s26], [sflag:$0x1] =	stream.indirect_vreg.gather [hbm4b:s7+s2], $0x80, v5, vm0, $0xb8;
	[tilespmem:$0xC100] =	vst v63  }
0x33: {  	_ = 	snop  }
0x34: {  	[tilespmem:s28], [sflag:$0x1] =	stream.indirect_vreg.gather [hbm4b:s8+s2], $0x80, v5, vm0, $0xb8;
	[tilespmem:$0xC100] =	vst v63  }
0x35: {  	_ = 	snop  }
0x36: {  	[tilespmem:s29], [sflag:$0x1] =	stream.indirect_vreg.gather [hbm4b:s9+s2], $0x80, v5, vm0, $0xb8;
	[tilespmem:$0xC100] =	vst v63  }
0x37: {  	_ = 	snop  }
0x38: {  	[tilespmem:s30], [sflag:$0x1] =	stream.indirect_vreg.gather [hbm4b:s10+s2], $0x80, v5, vm0, $0xb8;
	[tilespmem:$0xC100] =	vst v63  }
0x39: {  	_ = 	snop  }
0x3a: {  	[tilespmem:s31], [sflag:$0x1] =	stream.indirect_vreg.gather [hbm4b:s11+s2], $0x80, v5, vm0, $0xb8;
	[tilespmem:$0xC100] =	vst v63  }
0x3b: {  	_ =	swait.ge [sflag:s0], $0x8000  }
0x3c: {  	s22 =	sand.u32 $0x70, s2;
	s17 =	sand.u32 $0x3C00, s2;
	[sflag:s0] =	ssyncset.done $0x0  }
0x3d: {  	s16 =	sor.u32 s22, s17;
	[sflag:s0] =	ssyncadd.s32 $0xFFFF8000  }
0x3e: {  	v5 =	vld [tilespmem:s16+$0x4200]  }
0x3f: {  	v6 =	vld [tilespmem:s16+$0x4280]  }
0x40: {  	s23 =	sand.u32 $0x7, s2;
	v8 =	vld [tilespmem:s16+$0x180]  }
0x41: {  	s17 =	sshll.u32 s23, $0x4;
	s18 =	simm.s32 $0x10;
	v7 =	vld [tilespmem:s16+$0x200]  }
0x42: {  	s17 =	sadd.s32 $0x0, s17;
	s19 =	simm.s32 $0x0;
	s20 =	simm.s32 $0x0;
	v9 =	vld [tilespmem:s16+$0x380]  }
.LBB2_2:
0x43: {  	p0 =	sne.s32 s18, $0x7F0;
	v10 =	vld [tilespmem:s16+$0x300];
	s19 =	sadd.s32 $0x80, s19;
	s20 =	sadd.s32 $0x1, s20  }
0x44: {  	s22 =	smov.u32 s18;
	s18 =	sadd.s32 $0x10, s18;
	s21 =	sand.u32 $0x7, s20;
	v11 =	vld [tilespmem:s16+$0x100]  }
0x45: {  	s21 =	sshll.u32 s21, $0x4;
	v12 =	vld [tilespmem:s16+$0x280]  }
0x46: {  	s21 =	sadd.s32 s21, s19;
	v13 =	vld [tilespmem:s16+$0x4180]  }
0x47: {  	v5 =	vadd.f32 v6, v5;
	v14 =	vld [tilespmem:s16+$0x4100]  }
0x48: {  	v6 =	vadd.f32 v9, v10;
	v9 =	vld [tilespmem:s16+$0x4380]  }
0x49: {  	s22 =	sand.u32 $0x70, s22;
	s23 =	sand.u32 $0x3C00, s19;
	v8 =	vadd.f32 v8, v11;
	v10 =	vld [tilespmem:s16+$0x4300]  }
0x4a: {  	s22 =	sor.u32 s22, s23;
	v7 =	vadd.f32 v12, v7;
	[tilespmem:s16+$0x8200] =	vst v6  }
0x4b: {  	[tilespmem:s16+$0x8100] =	vst v8;
	v6 =	vld [tilespmem:s16+$0x4480]  }
0x4c: {  	s23 =	sor.u32 $0x380, s17;
	s17 =	smov.u32 s21;
	[tilespmem:s16+$0x8180] =	vst v7;
	v7 =	vld [tilespmem:s16+$0x400];
	v8 =	vadd.f32 v13, v14  }
0x4d: {  	v11 =	vld [tilespmem:s23+$0x100]  }
0x4e: {  	[tilespmem:s16+$0x8300] =	vst v8;
	v8 =	vadd.f32 v9, v10;
	v9 =	vld [tilespmem:s16+$0x4400]  }
0x4f: {  	[tilespmem:s16+$0x8380] =	vst v5  }
0x50: {  	[tilespmem:s16+$0x8400] =	vst v8;
	_ =	sdelay $0x1  }
0x51: {  	v5 =	vadd.f32 v11, v7  }
0x52: {  	v6 =	vadd.f32 v6, v9  }
0x53: {  	[tilespmem:s16+$0x8280] =	vst v5;
	s16 =	smov.u32 s22  }
0x54: {  	[tilespmem:s23+$0x8100] =	vst v6  }
.Ltmp0:
0x55: {  	v5 =	vld [tilespmem:s16+$0x4200];
	(pc) =	sbr.rel @p0 .LBB2_2-.Ltmp0, $4  }
0x56: {  	v6 =	vld [tilespmem:s16+$0x4280]  }
0x57: {  	v8 =	vld [tilespmem:s16+$0x180]  }
0x58: {  	v7 =	vld [tilespmem:s16+$0x200]  }
0x59: {  	v9 =	vld [tilespmem:s16+$0x380]  }
0x5a: {  	v10 =	vld [tilespmem:s16+$0x300]  }
0x5b: {  	v11 =	vld [tilespmem:s16+$0x100]  }
0x5c: {  	v12 =	vld [tilespmem:s16+$0x280];
	_ =	sdelay $0x1  }
0x5d: {  	v13 =	vld [tilespmem:s16+$0x4180]  }
0x5e: {  	v14 =	vld [tilespmem:s16+$0x4100];
	v9 =	vadd.f32 v9, v10  }
0x5f: {  	v58 =	vld [tilespmem:s16+$0x4380];
	v8 =	vadd.f32 v8, v11  }
0x60: {  	v59 =	vld [tilespmem:s16+$0x4300];
	v7 =	vadd.f32 v12, v7;
	[tilespmem:s16+$0x8200] =	vst v9  }
0x61: {  	v60 =	vld [tilespmem:s16+$0x4480];
	[tilespmem:s16+$0x8100] =	vst v8  }
0x62: {  	s17 =	sor.u32 $0x380, s17;
	[tilespmem:s16+$0x8180] =	vst v7;
	v7 =	vld [tilespmem:s16+$0x400]  }
0x63: {  	v62 =	vld [tilespmem:s17+$0x100]  }
0x64: {  	v63 =	vld [tilespmem:s16+$0x4400]  }
0x65: {  	v61 =	vadd.f32 v13, v14  }
0x66: {  	v5 =	vadd.f32 v6, v5  }
0x67: {  	v6 =	vadd.f32 v58, v59;
	[tilespmem:s16+$0x8300] =	vst v61  }
0x68: {  	[tilespmem:s16+$0x8380] =	vst v5;
	v5 =	vadd.f32 v62, v7  }
0x69: {  	s15 =	sadd.s32 $0x1, s15;
	[tilespmem:s16+$0x8400] =	vst v6;
	v6 =	vadd.f32 v60, v63  }
0x6a: {  	p0 =	sne.s32 s15, s13;
	[tilespmem:s16+$0x8280] =	vst v5  }
.Ltmp1:
0x6b: {  	[tilespmem:s17+$0x8100] =	vst v6;
	(pc) =	sbr.rel @p0 .LBB2_1-.Ltmp1, $4  }
0x6c: {  	[hbm4b:s12+s2] =	stream.linear.scatter [tilespmem:s1], [sflag:$0x2], $0x4000, $0x38;
	[tilespmem:$0xC100] =	vst v63  }
0x6d: {  	_ =	swait.ge [sflag:s14], $0x4000  }
0x6e: {  	[sflag:s14] =	ssyncset.done $0x0  }
0x6f: {  	[sflag:s14] =	ssyncadd.s32 $0xFFFFC000  }
0x70: {  	_ =	sfence.sel $0x180000  }
0x71: {  	[bflag:$0x0] =	sbarrier.arrive $0xFFFF  }
0x72: {  	_ =	strace $0x90000047  }
0x73: {  	s0 =	stileid.u32;
	[bflag:$0x2] =	sbarrier.arrive $0xFFFF  }
0x74: {  	p0 =	sne.s32 s0, $0x0;
	s0 =	rddreg [dreg:$0x2]  }
0x75: {  	s0 =	sadd.s32 @!p0 $0x100000, s0  }
0x76: {  	[sflag:s0] =	ssyncadd.tile.s32 @!p0 $0x1;
	_ =	shalt  }
.Lfunc_end2:
_tile_overlayer_lowered:
.L_overlay_start_2:
0x77: {  	(tag) =	ssettag $0x2  }
0x78: {  	s0 =	rddreg [dreg:$0x0];
	s2 =	stileid.u32  }
0x79: {  	s1 =	rddreg [dreg:$0x1];
	p0 =	sne.s32 s2, $0x0  }
0x7a: {  	s3 =	rddreg [dreg:$0x2];
	[bflag:$0x3] =	sbarrier.arrive $0xFFFF;
	s2 =	simm.s32 @!p0 $0x1C02  }
0x7b: {  	[timem:s3], [sflag:s2] =	dma.local @!p0 [hbm:s0], s1  }
0x7c: {  	s0 =	simm.s32 @!p0 $0x2  }
0x7d: {  	_ =	swait.ge @!p0 [sflag:s0], s1  }
0x7e: {  	s1 =	ssub.s32 @!p0 $0x0, s1;
	[sflag:s0] =	ssyncset.done @!p0 $0x0  }
0x7f: {  	[sflag:s0] =	ssyncadd.s32 @!p0 s1  }
0x80: {  	[bflag:$0x3] =	sbarrier.arrive $0xFFFF  }
0x81: {  	_ =	shalt  }

</sc_bundles>
